<compile_context>
chip_gen: v7x
topology: tpu7x:2x2x1
jax: 0.10.2.dev20260603
libtpu: 0.0.44.dev20260713+nightly
codegen_flags: <defaults>
</compile_context>

<pallas_src>
import functools

import jax
import jax.numpy as jnp
import numpy as np
from jax import lax
from jax.experimental import pallas as pl
from jax.experimental.pallas import tpu as pltpu
from jax.experimental.pallas import tpu_sc as plsc

_N = 1024


@functools.lru_cache(maxsize=None)
def _dft_basis(n):
    h = n // 2
    k = np.arange(h)
    j = np.arange(n)
    ang = (np.outer(k, j) % n).astype(np.float64) * (2.0 * np.pi / n)
    cosf = np.cos(ang).astype(np.float32)
    sinf = np.sin(ang).astype(np.float32)
    w = np.full((h,), 2.0)
    w[0] = 1.0
    cosi = (cosf.T * w).astype(np.float32)
    sini = (sinf.T * w).astype(np.float32)
    return cosf, sinf, cosi, sini


def _split_bf16(x):
    hi = x.astype(jnp.bfloat16)
    lo = (x - hi.astype(jnp.float32)).astype(jnp.bfloat16)
    return hi, lo


_MM = (((1,), (0,)), ((), ()))
_TT = (((1,), (1,)), ((), ()))

def _dot3(ah, al, bh, bl, dims):
    f = lambda u, v: lax.dot_general(u, v, dims,
                                     preferred_element_type=jnp.float32)
    return f(ah, bh) + (f(ah, bl) + f(al, bh))


def _phase_score_body(q_ref, cfh_ref, cfl_ref, sfh_ref, sfl_ref,
                      cih_ref, cil_ref, sih_ref, sil_ref,
                      ih_ref, il_ref, idx_ref):
    x = q_ref[0]
    seq = x.shape[0]
    xh, xl = _split_bf16(x)
    a = _dot3(cfh_ref[...], cfl_ref[...], xh, xl, _MM)
    b = _dot3(sfh_ref[...], sfl_ref[...], xh, xl, _MM)
    mag2 = a * a + b * b
    inv = lax.rsqrt(mag2)
    good = mag2 > 0.0
    p = jnp.where(good, a * inv, 1.0)
    r = jnp.where(good, b * inv, 0.0)
    ph, pLo = _split_bf16(p)
    rh, rl = _split_bf16(r)
    u = (_dot3(cih_ref[...], cil_ref[...], ph, pLo, _MM)
         - _dot3(sih_ref[...], sil_ref[...], rh, rl, _MM))
    alt = (1 - 2 * (lax.broadcasted_iota(jnp.int32, (seq, 1), 0) % 2)
           ).astype(jnp.float32)
    fny = jnp.sum(x * alt, axis=0, keepdims=True)
    pny = jnp.where(fny != 0.0, jnp.sign(fny), 1.0)
    u = u + alt * pny
    uh, ul = _split_bf16(u)
    score = _dot3(uh, ul, ih_ref[...], il_ref[...], _TT)
    idx_ref[...] = jnp.argmax(score, axis=1).astype(jnp.int32)


def _loss_body(q_ref, g_ref, loss_ref):
    hf = g_ref.shape[1]
    g32 = g_ref[...]
    g_lo = lax.bitcast_convert_type(g32 << 16, jnp.float32)
    g_hi = lax.bitcast_convert_type(g32 & jnp.int32(-65536), jnp.float32)
    x = q_ref[0]
    d_lo = x[:, :hf] - g_lo
    d_hi = x[:, hf:] - g_hi
    loss_ref[...] = jnp.sum(d_lo * d_lo + d_hi * d_hi, axis=1)


def _sc_gather(items_pk, idx_flat):
    info = plsc.get_sparse_core_info()
    nc, ns = info.num_cores, info.num_subcores
    nw = nc * ns
    btot = idx_flat.shape[0]
    d_pk = items_pk.shape[1]
    b_per_w = btot // nw
    chunk = 128
    mesh = plsc.VectorSubcoreMesh(core_axis_name="c", subcore_axis_name="s")

    @functools.partial(
        pl.kernel, mesh=mesh,
        out_type=jax.ShapeDtypeStruct((btot, d_pk), jnp.int32),
        scratch_types=[
            pltpu.VMEM((chunk,), jnp.int32),
            pltpu.VMEM((chunk, d_pk), jnp.int32),
            pltpu.SemaphoreType.DMA,
        ],
    )
    def gk(items_hbm, idx_hbm, out_hbm, idx_v, rows_v, sem):
        wid = lax.axis_index("s") * nc + lax.axis_index("c")
        base = wid * b_per_w
        for c in range(b_per_w // chunk):
            off = base + c * chunk
            pltpu.sync_copy(idx_hbm.at[pl.ds(off, chunk)], idx_v)
            pltpu.async_copy(items_hbm.at[idx_v], rows_v, sem).wait()
            pltpu.sync_copy(rows_v, out_hbm.at[pl.ds(off, chunk)])

    return gk(items_pk, idx_flat)


def kernel(queries, items):
    bsz, seq, feat = queries.shape
    n_items = items.shape[0]
    half = seq // 2
    cf_np, sf_np, ci_np, si_np = _dft_basis(seq)

    cfh, cfl = _split_bf16(jnp.asarray(cf_np))
    sfh, sfl = _split_bf16(jnp.asarray(sf_np))
    cih, cil = _split_bf16(jnp.asarray(ci_np))
    sih, sil = _split_bf16(jnp.asarray(si_np))
    ih, il = _split_bf16(items)

    fwd_spec = pl.BlockSpec((half, seq), lambda b: (0, 0))
    inv_spec = pl.BlockSpec((seq, half), lambda b: (0, 0))
    it_spec = pl.BlockSpec((n_items, feat), lambda b: (0, 0))
    idx_flat = pl.pallas_call(
        _phase_score_body,
        grid=(bsz,),
        in_specs=[
            pl.BlockSpec((1, seq, feat), lambda b: (b, 0, 0)),
            fwd_spec, fwd_spec, fwd_spec, fwd_spec,
            inv_spec, inv_spec, inv_spec, inv_spec,
            it_spec, it_spec,
        ],
        out_specs=pl.BlockSpec((seq,), lambda b: (b,)),
        out_shape=jax.ShapeDtypeStruct((bsz * seq,), jnp.int32),
    )(queries, cfh, cfl, sfh, sfl, cih, cil, sih, sil, ih, il)

    items_pk = lax.bitcast_convert_type(
        jnp.stack([ih[:, :feat // 2], ih[:, feat // 2:]], axis=-1),
        jnp.int32)
    gathered = _sc_gather(items_pk, idx_flat)

    loss = pl.pallas_call(
        _loss_body,
        grid=(bsz,),
        in_specs=[
            pl.BlockSpec((1, seq, feat), lambda b: (b, 0, 0)),
            pl.BlockSpec((seq, feat // 2), lambda b: (b, 0)),
        ],
        out_specs=pl.BlockSpec((seq,), lambda b: (b,)),
        out_shape=jax.ShapeDtypeStruct((bsz * seq,), jnp.float32),
    )(queries, gathered)

    return loss.reshape(bsz, seq)

# --- scband reference (transcript-rebuilt; emitter-appended) ---
"""Pipeline reference for scband-gathering-loss-37529424233256 (READ-ONLY COPY).

The authoritative reference and input builder live on the scoring server;
editing this copy changes nothing except your own understanding.
"""

import jax, jax.numpy as jnp
import numpy as np


def setup_inputs(seed: int = 0) -> dict:
    key = jax.random.key(seed)
    k1, k2 = jax.random.split(key)
    queries = jax.random.normal(k1, (16, 1024, 256), dtype=jnp.float32)
    items = jax.random.normal(k2, (1024, 256), dtype=jnp.float32)
    return {"queries": queries, "items": items}


def reference(queries, items):
    batch_size = queries.shape[0]
    # rfft along seq dim, then permute (0, 2, 1): (B, F_freq_bins? no) -> torch semantics
    f = jnp.fft.rfft(queries, axis=-2)            # (B, S//2+1, F)
    f = jnp.transpose(f, (0, 2, 1))               # (B, F, S//2+1)
    i_query_angle = jnp.angle(f)
    unit = jnp.fft.irfft(jnp.exp(-1j * i_query_angle), axis=-1)  # (B, F, S)
    unit_magnitude_queries = jnp.transpose(unit, (0, 2, 1))       # (B, S, F)
    # memto_framework=True branch
    score = jnp.einsum('bij,kj->bik', unit_magnitude_queries, items)  # (B, S, K)
    _, indices = jax.lax.top_k(score, 1)          # (B, S, 1)
    idx = indices[..., 0]                          # (B, S)
    step_basis = items[idx]                        # (B, S, F) == gather of repeated items
    gathering_loss = (queries - step_basis) ** 2   # MSELoss reduction='none'
    gathering_loss = jnp.sum(gathering_loss, axis=-1)  # (B, S)
    return gathering_loss.reshape(batch_size, -1)

if __name__ == "__main__":
    import jax
    _d = setup_inputs()
    print(jax.jit(kernel)(*tuple(_d.values())))

</pallas_src>

<mosaic_0001>
#map = affine_map<(d0, d1) -> (0, 0)>
#map1 = affine_map<(d0, d1) -> (0)>
module attributes {stable_mosaic.version = 14 : i64} {
  func.func @gk(%arg0: i32, %arg1: i32, %arg2: memref<1024x128xi32, #tpu.memory_space<hbm>>, %arg3: memref<16384xi32, #tpu.memory_space<hbm>>, %arg4: memref<16384x128xi32, #tpu.memory_space<hbm>>, %arg5: memref<128xi32, #tpu.memory_space<vmem>>, %arg6: memref<128x128xi32, #tpu.memory_space<vmem>>, %arg7: memref<!tpu.dma_semaphore, #tpu.memory_space<semaphore_mem>>) attributes {dimension_semantics = [#tpu.dimension_semantics<core_parallel>, #tpu.dimension_semantics<subcore_parallel>], iteration_bounds = array<i64: 2, 16>, scalar_prefetch = 0 : i64, scratch_operands = 3 : i64, tpu.core_type = #tpu.core_type<sc_vector_subcore>, window_params = [{transform_indices = #map}, {transform_indices = #map1}, {transform_indices = #map}]} {
    %mul3A = arith.constant 2 : i32
    %mul3A_0 = arith.muli %arg1, %mul3A : i32
    %add3A = arith.addi %mul3A_0, %arg0 : i32
    %mul3A_1 = arith.constant 512 : i32
    %mul3A_2 = arith.muli %add3A, %mul3A_1 : i32
    %add3A_3 = arith.constant 0 : i32
    %add3A_4 = arith.addi %mul3A_2, %add3A_3 : i32
    "tpu.region"() ({
      %run_scoped3A = tpu.sem_alloc : memref<!tpu.dma_semaphore, #tpu.memory_space<semaphore_mem>>
      %dma_start3A_33 = tpu.memref_slice %arg3[%add3A_4] : memref<16384xi32, #tpu.memory_space<hbm>> -> memref<128xi32, #tpu.memory_space<hbm>>
      %dma_start3A_34 = tpu.memref_slice %arg3[%add3A_4] : memref<16384xi32, #tpu.memory_space<hbm>> -> memref<128xi32, #tpu.memory_space<hbm>>
      tpu.enqueue_dma source(%dma_start3A_34 : memref<128xi32, #tpu.memory_space<hbm>>) target(%arg5 : memref<128xi32, #tpu.memory_space<vmem>>) target_semaphore(%run_scoped3A : memref<!tpu.dma_semaphore, #tpu.memory_space<semaphore_mem>>)
      %dma_wait3A_35 = tpu.memref_slice %arg3[%add3A_4] : memref<16384xi32, #tpu.memory_space<hbm>> -> memref<128xi32, #tpu.memory_space<hbm>>
      %dma_wait3A_36 = tpu.memref_slice %arg3[%add3A_4] : memref<16384xi32, #tpu.memory_space<hbm>> -> memref<128xi32, #tpu.memory_space<hbm>>
      tpu.wait_dma2 semaphore(%run_scoped3A : memref<!tpu.dma_semaphore, #tpu.memory_space<semaphore_mem>>) src(%dma_wait3A_36 : memref<128xi32, #tpu.memory_space<hbm>>) dst(%arg5 : memref<128xi32, #tpu.memory_space<vmem>>)
      tpu.yield
    }) : () -> ()
    %dma_start3A = arith.constant 0 : i32
    %dma_start3A_5 = arith.constant 0 : i32
    %dma_start3A_6 = tpu.memref_slice %arg2[%dma_start3A, %dma_start3A_5] : memref<1024x128xi32, #tpu.memory_space<hbm>> -> memref<1024x128xi32, #tpu.memory_space<hbm>>
    tpu.enqueue_indirect_dma source(%dma_start3A_6 : memref<1024x128xi32, #tpu.memory_space<hbm>>) target(%arg6 : memref<128x128xi32, #tpu.memory_space<vmem>>) offsets(%arg5 : memref<128xi32, #tpu.memory_space<vmem>>) semaphore(%arg7 : memref<!tpu.dma_semaphore, #tpu.memory_space<semaphore_mem>>)
    %dma_wait3A = arith.constant 0 : i32
    %dma_wait3A_7 = arith.constant 0 : i32
    %dma_wait3A_8 = tpu.memref_slice %arg2[%dma_wait3A, %dma_wait3A_7] : memref<1024x128xi32, #tpu.memory_space<hbm>> -> memref<1024x128xi32, #tpu.memory_space<hbm>>
    tpu.wait_indirect_dma semaphore(%arg7 : memref<!tpu.dma_semaphore, #tpu.memory_space<semaphore_mem>>) src(%dma_wait3A_8 : memref<1024x128xi32, #tpu.memory_space<hbm>>) dst(%arg6 : memref<128x128xi32, #tpu.memory_space<vmem>>)
    "tpu.region"() ({
      %run_scoped3A = tpu.sem_alloc : memref<!tpu.dma_semaphore, #tpu.memory_space<semaphore_mem>>
      %dma_start3A_33 = arith.constant 0 : i32
      %dma_start3A_34 = tpu.memref_slice %arg4[%add3A_4, %dma_start3A_33] : memref<16384x128xi32, #tpu.memory_space<hbm>> -> memref<128x128xi32, #tpu.memory_space<hbm>>
      %dma_start3A_35 = arith.constant 0 : i32
      %dma_start3A_36 = tpu.memref_slice %arg4[%add3A_4, %dma_start3A_35] : memref<16384x128xi32, #tpu.memory_space<hbm>> -> memref<128x128xi32, #tpu.memory_space<hbm>>
      tpu.enqueue_dma source(%arg6 : memref<128x128xi32, #tpu.memory_space<vmem>>) target(%dma_start3A_36 : memref<128x128xi32, #tpu.memory_space<hbm>>) target_semaphore(%run_scoped3A : memref<!tpu.dma_semaphore, #tpu.memory_space<semaphore_mem>>)
      %dma_wait3A_37 = arith.constant 0 : i32
      %dma_wait3A_38 = tpu.memref_slice %arg4[%add3A_4, %dma_wait3A_37] : memref<16384x128xi32, #tpu.memory_space<hbm>> -> memref<128x128xi32, #tpu.memory_space<hbm>>
      %dma_wait3A_39 = arith.constant 0 : i32
      %dma_wait3A_40 = tpu.memref_slice %arg4[%add3A_4, %dma_wait3A_39] : memref<16384x128xi32, #tpu.memory_space<hbm>> -> memref<128x128xi32, #tpu.memory_space<hbm>>
      tpu.wait_dma2 semaphore(%run_scoped3A : memref<!tpu.dma_semaphore, #tpu.memory_space<semaphore_mem>>) src(%arg6 : memref<128x128xi32, #tpu.memory_space<vmem>>) dst(%dma_wait3A_40 : memref<128x128xi32, #tpu.memory_space<hbm>>)
      tpu.yield
    }) : () -> ()
    %add3A_9 = arith.constant 128 : i32
    %add3A_10 = arith.addi %mul3A_2, %add3A_9 : i32
    "tpu.region"() ({
      %run_scoped3A = tpu.sem_alloc : memref<!tpu.dma_semaphore, #tpu.memory_space<semaphore_mem>>
      %dma_start3A_33 = tpu.memref_slice %arg3[%add3A_10] : memref<16384xi32, #tpu.memory_space<hbm>> -> memref<128xi32, #tpu.memory_space<hbm>>
      %dma_start3A_34 = tpu.memref_slice %arg3[%add3A_10] : memref<16384xi32, #tpu.memory_space<hbm>> -> memref<128xi32, #tpu.memory_space<hbm>>
      tpu.enqueue_dma source(%dma_start3A_34 : memref<128xi32, #tpu.memory_space<hbm>>) target(%arg5 : memref<128xi32, #tpu.memory_space<vmem>>) target_semaphore(%run_scoped3A : memref<!tpu.dma_semaphore, #tpu.memory_space<semaphore_mem>>)
      %dma_wait3A_35 = tpu.memref_slice %arg3[%add3A_10] : memref<16384xi32, #tpu.memory_space<hbm>> -> memref<128xi32, #tpu.memory_space<hbm>>
      %dma_wait3A_36 = tpu.memref_slice %arg3[%add3A_10] : memref<16384xi32, #tpu.memory_space<hbm>> -> memref<128xi32, #tpu.memory_space<hbm>>
      tpu.wait_dma2 semaphore(%run_scoped3A : memref<!tpu.dma_semaphore, #tpu.memory_space<semaphore_mem>>) src(%dma_wait3A_36 : memref<128xi32, #tpu.memory_space<hbm>>) dst(%arg5 : memref<128xi32, #tpu.memory_space<vmem>>)
      tpu.yield
    }) : () -> ()
    %dma_start3A_11 = arith.constant 0 : i32
    %dma_start3A_12 = arith.constant 0 : i32
    %dma_start3A_13 = tpu.memref_slice %arg2[%dma_start3A_11, %dma_start3A_12] : memref<1024x128xi32, #tpu.memory_space<hbm>> -> memref<1024x128xi32, #tpu.memory_space<hbm>>
    tpu.enqueue_indirect_dma source(%dma_start3A_13 : memref<1024x128xi32, #tpu.memory_space<hbm>>) target(%arg6 : memref<128x128xi32, #tpu.memory_space<vmem>>) offsets(%arg5 : memref<128xi32, #tpu.memory_space<vmem>>) semaphore(%arg7 : memref<!tpu.dma_semaphore, #tpu.memory_space<semaphore_mem>>)
    %dma_wait3A_14 = arith.constant 0 : i32
    %dma_wait3A_15 = arith.constant 0 : i32
    %dma_wait3A_16 = tpu.memref_slice %arg2[%dma_wait3A_14, %dma_wait3A_15] : memref<1024x128xi32, #tpu.memory_space<hbm>> -> memref<1024x128xi32, #tpu.memory_space<hbm>>
    tpu.wait_indirect_dma semaphore(%arg7 : memref<!tpu.dma_semaphore, #tpu.memory_space<semaphore_mem>>) src(%dma_wait3A_16 : memref<1024x128xi32, #tpu.memory_space<hbm>>) dst(%arg6 : memref<128x128xi32, #tpu.memory_space<vmem>>)
    "tpu.region"() ({
      %run_scoped3A = tpu.sem_alloc : memref<!tpu.dma_semaphore, #tpu.memory_space<semaphore_mem>>
      %dma_start3A_33 = arith.constant 0 : i32
      %dma_start3A_34 = tpu.memref_slice %arg4[%add3A_10, %dma_start3A_33] : memref<16384x128xi32, #tpu.memory_space<hbm>> -> memref<128x128xi32, #tpu.memory_space<hbm>>
      %dma_start3A_35 = arith.constant 0 : i32
      %dma_start3A_36 = tpu.memref_slice %arg4[%add3A_10, %dma_start3A_35] : memref<16384x128xi32, #tpu.memory_space<hbm>> -> memref<128x128xi32, #tpu.memory_space<hbm>>
      tpu.enqueue_dma source(%arg6 : memref<128x128xi32, #tpu.memory_space<vmem>>) target(%dma_start3A_36 : memref<128x128xi32, #tpu.memory_space<hbm>>) target_semaphore(%run_scoped3A : memref<!tpu.dma_semaphore, #tpu.memory_space<semaphore_mem>>)
      %dma_wait3A_37 = arith.constant 0 : i32
      %dma_wait3A_38 = tpu.memref_slice %arg4[%add3A_10, %dma_wait3A_37] : memref<16384x128xi32, #tpu.memory_space<hbm>> -> memref<128x128xi32, #tpu.memory_space<hbm>>
      %dma_wait3A_39 = arith.constant 0 : i32
      %dma_wait3A_40 = tpu.memref_slice %arg4[%add3A_10, %dma_wait3A_39] : memref<16384x128xi32, #tpu.memory_space<hbm>> -> memref<128x128xi32, #tpu.memory_space<hbm>>
      tpu.wait_dma2 semaphore(%run_scoped3A : memref<!tpu.dma_semaphore, #tpu.memory_space<semaphore_mem>>) src(%arg6 : memref<128x128xi32, #tpu.memory_space<vmem>>) dst(%dma_wait3A_40 : memref<128x128xi32, #tpu.memory_space<hbm>>)
      tpu.yield
    }) : () -> ()
    %add3A_17 = arith.constant 256 : i32
    %add3A_18 = arith.addi %mul3A_2, %add3A_17 : i32
    "tpu.region"() ({
      %run_scoped3A = tpu.sem_alloc : memref<!tpu.dma_semaphore, #tpu.memory_space<semaphore_mem>>
      %dma_start3A_33 = tpu.memref_slice %arg3[%add3A_18] : memref<16384xi32, #tpu.memory_space<hbm>> -> memref<128xi32, #tpu.memory_space<hbm>>
      %dma_start3A_34 = tpu.memref_slice %arg3[%add3A_18] : memref<16384xi32, #tpu.memory_space<hbm>> -> memref<128xi32, #tpu.memory_space<hbm>>
      tpu.enqueue_dma source(%dma_start3A_34 : memref<128xi32, #tpu.memory_space<hbm>>) target(%arg5 : memref<128xi32, #tpu.memory_space<vmem>>) target_semaphore(%run_scoped3A : memref<!tpu.dma_semaphore, #tpu.memory_space<semaphore_mem>>)
      %dma_wait3A_35 = tpu.memref_slice %arg3[%add3A_18] : memref<16384xi32, #tpu.memory_space<hbm>> -> memref<128xi32, #tpu.memory_space<hbm>>
      %dma_wait3A_36 = tpu.memref_slice %arg3[%add3A_18] : memref<16384xi32, #tpu.memory_space<hbm>> -> memref<128xi32, #tpu.memory_space<hbm>>
      tpu.wait_dma2 semaphore(%run_scoped3A : memref<!tpu.dma_semaphore, #tpu.memory_space<semaphore_mem>>) src(%dma_wait3A_36 : memref<128xi32, #tpu.memory_space<hbm>>) dst(%arg5 : memref<128xi32, #tpu.memory_space<vmem>>)
      tpu.yield
    }) : () -> ()
    %dma_start3A_19 = arith.constant 0 : i32
    %dma_start3A_20 = arith.constant 0 : i32
    %dma_start3A_21 = tpu.memref_slice %arg2[%dma_start3A_19, %dma_start3A_20] : memref<1024x128xi32, #tpu.memory_space<hbm>> -> memref<1024x128xi32, #tpu.memory_space<hbm>>
    tpu.enqueue_indirect_dma source(%dma_start3A_21 : memref<1024x128xi32, #tpu.memory_space<hbm>>) target(%arg6 : memref<128x128xi32, #tpu.memory_space<vmem>>) offsets(%arg5 : memref<128xi32, #tpu.memory_space<vmem>>) semaphore(%arg7 : memref<!tpu.dma_semaphore, #tpu.memory_space<semaphore_mem>>)
    %dma_wait3A_22 = arith.constant 0 : i32
    %dma_wait3A_23 = arith.constant 0 : i32
    %dma_wait3A_24 = tpu.memref_slice %arg2[%dma_wait3A_22, %dma_wait3A_23] : memref<1024x128xi32, #tpu.memory_space<hbm>> -> memref<1024x128xi32, #tpu.memory_space<hbm>>
    tpu.wait_indirect_dma semaphore(%arg7 : memref<!tpu.dma_semaphore, #tpu.memory_space<semaphore_mem>>) src(%dma_wait3A_24 : memref<1024x128xi32, #tpu.memory_space<hbm>>) dst(%arg6 : memref<128x128xi32, #tpu.memory_space<vmem>>)
    "tpu.region"() ({
      %run_scoped3A = tpu.sem_alloc : memref<!tpu.dma_semaphore, #tpu.memory_space<semaphore_mem>>
      %dma_start3A_33 = arith.constant 0 : i32
      %dma_start3A_34 = tpu.memref_slice %arg4[%add3A_18, %dma_start3A_33] : memref<16384x128xi32, #tpu.memory_space<hbm>> -> memref<128x128xi32, #tpu.memory_space<hbm>>
      %dma_start3A_35 = arith.constant 0 : i32
      %dma_start3A_36 = tpu.memref_slice %arg4[%add3A_18, %dma_start3A_35] : memref<16384x128xi32, #tpu.memory_space<hbm>> -> memref<128x128xi32, #tpu.memory_space<hbm>>
      tpu.enqueue_dma source(%arg6 : memref<128x128xi32, #tpu.memory_space<vmem>>) target(%dma_start3A_36 : memref<128x128xi32, #tpu.memory_space<hbm>>) target_semaphore(%run_scoped3A : memref<!tpu.dma_semaphore, #tpu.memory_space<semaphore_mem>>)
      %dma_wait3A_37 = arith.constant 0 : i32
      %dma_wait3A_38 = tpu.memref_slice %arg4[%add3A_18, %dma_wait3A_37] : memref<16384x128xi32, #tpu.memory_space<hbm>> -> memref<128x128xi32, #tpu.memory_space<hbm>>
      %dma_wait3A_39 = arith.constant 0 : i32
      %dma_wait3A_40 = tpu.memref_slice %arg4[%add3A_18, %dma_wait3A_39] : memref<16384x128xi32, #tpu.memory_space<hbm>> -> memref<128x128xi32, #tpu.memory_space<hbm>>
      tpu.wait_dma2 semaphore(%run_scoped3A : memref<!tpu.dma_semaphore, #tpu.memory_space<semaphore_mem>>) src(%arg6 : memref<128x128xi32, #tpu.memory_space<vmem>>) dst(%dma_wait3A_40 : memref<128x128xi32, #tpu.memory_space<hbm>>)
      tpu.yield
    }) : () -> ()
    %add3A_25 = arith.constant 384 : i32
    %add3A_26 = arith.addi %mul3A_2, %add3A_25 : i32
    "tpu.region"() ({
      %run_scoped3A = tpu.sem_alloc : memref<!tpu.dma_semaphore, #tpu.memory_space<semaphore_mem>>
      %dma_start3A_33 = tpu.memref_slice %arg3[%add3A_26] : memref<16384xi32, #tpu.memory_space<hbm>> -> memref<128xi32, #tpu.memory_space<hbm>>
      %dma_start3A_34 = tpu.memref_slice %arg3[%add3A_26] : memref<16384xi32, #tpu.memory_space<hbm>> -> memref<128xi32, #tpu.memory_space<hbm>>
      tpu.enqueue_dma source(%dma_start3A_34 : memref<128xi32, #tpu.memory_space<hbm>>) target(%arg5 : memref<128xi32, #tpu.memory_space<vmem>>) target_semaphore(%run_scoped3A : memref<!tpu.dma_semaphore, #tpu.memory_space<semaphore_mem>>)
      %dma_wait3A_35 = tpu.memref_slice %arg3[%add3A_26] : memref<16384xi32, #tpu.memory_space<hbm>> -> memref<128xi32, #tpu.memory_space<hbm>>
      %dma_wait3A_36 = tpu.memref_slice %arg3[%add3A_26] : memref<16384xi32, #tpu.memory_space<hbm>> -> memref<128xi32, #tpu.memory_space<hbm>>
      tpu.wait_dma2 semaphore(%run_scoped3A : memref<!tpu.dma_semaphore, #tpu.memory_space<semaphore_mem>>) src(%dma_wait3A_36 : memref<128xi32, #tpu.memory_space<hbm>>) dst(%arg5 : memref<128xi32, #tpu.memory_space<vmem>>)
      tpu.yield
    }) : () -> ()
    %dma_start3A_27 = arith.constant 0 : i32
    %dma_start3A_28 = arith.constant 0 : i32
    %dma_start3A_29 = tpu.memref_slice %arg2[%dma_start3A_27, %dma_start3A_28] : memref<1024x128xi32, #tpu.memory_space<hbm>> -> memref<1024x128xi32, #tpu.memory_space<hbm>>
    tpu.enqueue_indirect_dma source(%dma_start3A_29 : memref<1024x128xi32, #tpu.memory_space<hbm>>) target(%arg6 : memref<128x128xi32, #tpu.memory_space<vmem>>) offsets(%arg5 : memref<128xi32, #tpu.memory_space<vmem>>) semaphore(%arg7 : memref<!tpu.dma_semaphore, #tpu.memory_space<semaphore_mem>>)
    %dma_wait3A_30 = arith.constant 0 : i32
    %dma_wait3A_31 = arith.constant 0 : i32
    %dma_wait3A_32 = tpu.memref_slice %arg2[%dma_wait3A_30, %dma_wait3A_31] : memref<1024x128xi32, #tpu.memory_space<hbm>> -> memref<1024x128xi32, #tpu.memory_space<hbm>>
    tpu.wait_indirect_dma semaphore(%arg7 : memref<!tpu.dma_semaphore, #tpu.memory_space<semaphore_mem>>) src(%dma_wait3A_32 : memref<1024x128xi32, #tpu.memory_space<hbm>>) dst(%arg6 : memref<128x128xi32, #tpu.memory_space<vmem>>)
    "tpu.region"() ({
      %run_scoped3A = tpu.sem_alloc : memref<!tpu.dma_semaphore, #tpu.memory_space<semaphore_mem>>
      %dma_start3A_33 = arith.constant 0 : i32
      %dma_start3A_34 = tpu.memref_slice %arg4[%add3A_26, %dma_start3A_33] : memref<16384x128xi32, #tpu.memory_space<hbm>> -> memref<128x128xi32, #tpu.memory_space<hbm>>
      %dma_start3A_35 = arith.constant 0 : i32
      %dma_start3A_36 = tpu.memref_slice %arg4[%add3A_26, %dma_start3A_35] : memref<16384x128xi32, #tpu.memory_space<hbm>> -> memref<128x128xi32, #tpu.memory_space<hbm>>
      tpu.enqueue_dma source(%arg6 : memref<128x128xi32, #tpu.memory_space<vmem>>) target(%dma_start3A_36 : memref<128x128xi32, #tpu.memory_space<hbm>>) target_semaphore(%run_scoped3A : memref<!tpu.dma_semaphore, #tpu.memory_space<semaphore_mem>>)
      %dma_wait3A_37 = arith.constant 0 : i32
      %dma_wait3A_38 = tpu.memref_slice %arg4[%add3A_26, %dma_wait3A_37] : memref<16384x128xi32, #tpu.memory_space<hbm>> -> memref<128x128xi32, #tpu.memory_space<hbm>>
      %dma_wait3A_39 = arith.constant 0 : i32
      %dma_wait3A_40 = tpu.memref_slice %arg4[%add3A_26, %dma_wait3A_39] : memref<16384x128xi32, #tpu.memory_space<hbm>> -> memref<128x128xi32, #tpu.memory_space<hbm>>
      tpu.wait_dma2 semaphore(%run_scoped3A : memref<!tpu.dma_semaphore, #tpu.memory_space<semaphore_mem>>) src(%arg6 : memref<128x128xi32, #tpu.memory_space<vmem>>) dst(%dma_wait3A_40 : memref<128x128xi32, #tpu.memory_space<hbm>>)
      tpu.yield
    }) : () -> ()
    return
  }
}

module attributes {stable_mosaic.version = 14 : i64} {
  func.func @_loss_body(%arg0: i32, %arg1: memref<1x1024x256xf32, #tpu.memory_space<vmem>>, %arg2: memref<1024x128xi32, #tpu.memory_space<vmem>>, %arg3: memref<1024xf32, #tpu.memory_space<vmem>>) attributes {dimension_semantics = [#tpu.dimension_semantics<arbitrary>], iteration_bounds = array<i64: 16>, scalar_prefetch = 0 : i64, scratch_operands = 0 : i64, tpu.core_type = #tpu.core_type<tc>, window_params = [{transform_indices = @transform_0, window_bounds = array<i64: 1, 1024, 256>}, {transform_indices = @transform_1, window_bounds = array<i64: 1024, 128>}, {transform_indices = @transform_2, window_bounds = array<i64: 1024>}]} {
    %get3A = arith.constant 0 : index
    %get3A_0 = arith.constant 0 : index
    %get3A_1 = vector.load %arg2[%get3A, %get3A_0] : memref<1024x128xi32, #tpu.memory_space<vmem>>, vector<1024x128xi32>
    %shift_left3A = arith.constant 16 : i32
    %shift_left3A_2 = vector.broadcast %shift_left3A : i32 to vector<1024x128xi32>
    %shift_left3A_3 = arith.shli %get3A_1, %shift_left3A_2 : vector<1024x128xi32>
    %bitcast_convert_type3A = tpu.bitcast %shift_left3A_3 : vector<1024x128xi32> -> vector<1024x128xf32>
    %and3A = arith.constant -65536 : i32
    %and3A_4 = vector.broadcast %and3A : i32 to vector<1024x128xi32>
    %and3A_5 = arith.andi %get3A_1, %and3A_4 : vector<1024x128xi32>
    %bitcast_convert_type3A_6 = tpu.bitcast %and3A_5 : vector<1024x128xi32> -> vector<1024x128xf32>
    %get3A_7 = arith.constant 0 : index
    %get3A_8 = arith.constant 0 : index
    %get3A_9 = arith.constant 0 : index
    %get3A_10 = vector.load %arg1[%get3A_7, %get3A_8, %get3A_9] : memref<1x1024x256xf32, #tpu.memory_space<vmem>>, vector<1x1024x256xf32>
    %get3A_11 = vector.shape_cast %get3A_10 : vector<1x1024x256xf32> to vector<1024x256xf32>
    %slice3A = vector.extract_strided_slice %get3A_11 {offsets = [0, 0], sizes = [1024, 128], strides = [1, 1]} : vector<1024x256xf32> to vector<1024x128xf32>
    %sub3A = arith.subf %slice3A, %bitcast_convert_type3A : vector<1024x128xf32>
    %slice3A_12 = vector.extract_strided_slice %get3A_11 {offsets = [0, 128], sizes = [1024, 128], strides = [1, 1]} : vector<1024x256xf32> to vector<1024x128xf32>
    %sub3A_13 = arith.subf %slice3A_12, %bitcast_convert_type3A_6 : vector<1024x128xf32>
    %mul3A = arith.mulf %sub3A, %sub3A : vector<1024x128xf32>
    %mul3A_14 = arith.mulf %sub3A_13, %sub3A_13 : vector<1024x128xf32>
    %add3A = arith.addf %mul3A, %mul3A_14 : vector<1024x128xf32>
    %reduce_sum3A = arith.constant dense<0.000000e+00> : vector<1024xf32>
    %reduce_sum3A_15 = vector.multi_reduction <add>, %add3A, %reduce_sum3A [1] : vector<1024x128xf32> to vector<1024xf32>
    %swap3A = arith.constant 0 : index
    %swap3A_16 = vector.load %arg3[%swap3A] : memref<1024xf32, #tpu.memory_space<vmem>>, vector<1024xf32>
    tpu.vector_store %arg3[%swap3A], %reduce_sum3A_15 {strides = array<i32>} : memref<1024xf32, #tpu.memory_space<vmem>>, vector<1024xf32>,
    return
  }
  func.func @transform_0(%arg0: i32) -> (i32, i32, i32) {
    %c0_i32 = arith.constant 0 : i32
    %c0_i32_0 = arith.constant 0 : i32
    %c0_i32_1 = arith.constant 0 : i32
    return %arg0, %c0_i32, %c0_i32_0 : i32, i32, i32
  }
  func.func @transform_1(%arg0: i32) -> (i32, i32) {
    %c0_i32 = arith.constant 0 : i32
    %c0_i32_0 = arith.constant 0 : i32
    return %arg0, %c0_i32 : i32, i32
  }
  func.func @transform_2(%arg0: i32) -> i32 {
    %c0_i32 = arith.constant 0 : i32
    return %arg0 : i32
  }
}

module attributes {stable_mosaic.version = 14 : i64} {
  func.func @_phase_score_body(%arg0: i32, %arg1: memref<1x1024x256xf32, #tpu.memory_space<vmem>>, %arg2: memref<512x1024xbf16, #tpu.memory_space<vmem>>, %arg3: memref<512x1024xbf16, #tpu.memory_space<vmem>>, %arg4: memref<512x1024xbf16, #tpu.memory_space<vmem>>, %arg5: memref<512x1024xbf16, #tpu.memory_space<vmem>>, %arg6: memref<1024x512xbf16, #tpu.memory_space<vmem>>, %arg7: memref<1024x512xbf16, #tpu.memory_space<vmem>>, %arg8: memref<1024x512xbf16, #tpu.memory_space<vmem>>, %arg9: memref<1024x512xbf16, #tpu.memory_space<vmem>>, %arg10: memref<1024x256xbf16, #tpu.memory_space<vmem>>, %arg11: memref<1024x256xbf16, #tpu.memory_space<vmem>>, %arg12: memref<1024xi32, #tpu.memory_space<vmem>>) attributes {dimension_semantics = [#tpu.dimension_semantics<arbitrary>], iteration_bounds = array<i64: 16>, scalar_prefetch = 0 : i64, scratch_operands = 0 : i64, tpu.core_type = #tpu.core_type<tc>, window_params = [{transform_indices = @transform_0, window_bounds = array<i64: 1, 1024, 256>}, {pipeline_mode = #tpu.pipeline_mode<synchronous>, transform_indices = @transform_1, window_bounds = array<i64: 512, 1024>}, {pipeline_mode = #tpu.pipeline_mode<synchronous>, transform_indices = @transform_2, window_bounds = array<i64: 512, 1024>}, {pipeline_mode = #tpu.pipeline_mode<synchronous>, transform_indices = @transform_3, window_bounds = array<i64: 512, 1024>}, {pipeline_mode = #tpu.pipeline_mode<synchronous>, transform_indices = @transform_4, window_bounds = array<i64: 512, 1024>}, {pipeline_mode = #tpu.pipeline_mode<synchronous>, transform_indices = @transform_5, window_bounds = array<i64: 1024, 512>}, {pipeline_mode = #tpu.pipeline_mode<synchronous>, transform_indices = @transform_6, window_bounds = array<i64: 1024, 512>}, {pipeline_mode = #tpu.pipeline_mode<synchronous>, transform_indices = @transform_7, window_bounds = array<i64: 1024, 512>}, {pipeline_mode = #tpu.pipeline_mode<synchronous>, transform_indices = @transform_8, window_bounds = array<i64: 1024, 512>}, {pipeline_mode = #tpu.pipeline_mode<synchronous>, transform_indices = @transform_9, window_bounds = array<i64: 1024, 256>}, {pipeline_mode = #tpu.pipeline_mode<synchronous>, transform_indices = @transform_10, window_bounds = array<i64: 1024, 256>}, {transform_indices = @transform_11, window_bounds = array<i64: 1024>}]} {
    %get3A = arith.constant 0 : index
    %get3A_0 = arith.constant 0 : index
    %get3A_1 = arith.constant 0 : index
    %get3A_2 = vector.load %arg1[%get3A, %get3A_0, %get3A_1] : memref<1x1024x256xf32, #tpu.memory_space<vmem>>, vector<1x1024x256xf32>
    %get3A_3 = vector.shape_cast %get3A_2 : vector<1x1024x256xf32> to vector<1024x256xf32>
    %convert_element_type3A = arith.truncf %get3A_3 : vector<1024x256xf32> to vector<1024x256xbf16>
    %convert_element_type3A_4 = arith.extf %convert_element_type3A : vector<1024x256xbf16> to vector<1024x256xf32>
    %sub3A = arith.subf %get3A_3, %convert_element_type3A_4 : vector<1024x256xf32>
    %convert_element_type3A_5 = arith.truncf %sub3A : vector<1024x256xf32> to vector<1024x256xbf16>
    %get3A_6 = arith.constant 0 : index
    %get3A_7 = arith.constant 0 : index
    %get3A_8 = vector.load %arg2[%get3A_6, %get3A_7] : memref<512x1024xbf16, #tpu.memory_space<vmem>>, vector<512x1024xbf16>
    %get3A_9 = arith.constant 0 : index
    %get3A_10 = arith.constant 0 : index
    %get3A_11 = vector.load %arg3[%get3A_9, %get3A_10] : memref<512x1024xbf16, #tpu.memory_space<vmem>>, vector<512x1024xbf16>
    %dot_general3A = arith.constant dense<0.000000e+00> : vector<512x256xf32>
    %dot_general3A_12 = tpu.matmul %get3A_8, %convert_element_type3A, %dot_general3A {dimension_numbers = #tpu.dot_dimension_numbers<[1], [0], [0], [1], [0, 0, 1, 1], [], []>, transpose_lhs_hint = false} : vector<512x1024xbf16>, vector<1024x256xbf16>, vector<512x256xf32> -> vector<512x256xf32>
    %dot_general3A_13 = arith.constant dense<0.000000e+00> : vector<512x256xf32>
    %dot_general3A_14 = tpu.matmul %get3A_8, %convert_element_type3A_5, %dot_general3A_13 {dimension_numbers = #tpu.dot_dimension_numbers<[1], [0], [0], [1], [0, 0, 1, 1], [], []>, transpose_lhs_hint = false} : vector<512x1024xbf16>, vector<1024x256xbf16>, vector<512x256xf32> -> vector<512x256xf32>
    %dot_general3A_15 = arith.constant dense<0.000000e+00> : vector<512x256xf32>
    %dot_general3A_16 = tpu.matmul %get3A_11, %convert_element_type3A, %dot_general3A_15 {dimension_numbers = #tpu.dot_dimension_numbers<[1], [0], [0], [1], [0, 0, 1, 1], [], []>, transpose_lhs_hint = false} : vector<512x1024xbf16>, vector<1024x256xbf16>, vector<512x256xf32> -> vector<512x256xf32>
    %add3A = arith.addf %dot_general3A_14, %dot_general3A_16 : vector<512x256xf32>
    %add3A_17 = arith.addf %dot_general3A_12, %add3A : vector<512x256xf32>
    %get3A_18 = arith.constant 0 : index
    %get3A_19 = arith.constant 0 : index
    %get3A_20 = vector.load %arg4[%get3A_18, %get3A_19] : memref<512x1024xbf16, #tpu.memory_space<vmem>>, vector<512x1024xbf16>
    %get3A_21 = arith.constant 0 : index
    %get3A_22 = arith.constant 0 : index
    %get3A_23 = vector.load %arg5[%get3A_21, %get3A_22] : memref<512x1024xbf16, #tpu.memory_space<vmem>>, vector<512x1024xbf16>
    %dot_general3A_24 = arith.constant dense<0.000000e+00> : vector<512x256xf32>
    %dot_general3A_25 = tpu.matmul %get3A_20, %convert_element_type3A, %dot_general3A_24 {dimension_numbers = #tpu.dot_dimension_numbers<[1], [0], [0], [1], [0, 0, 1, 1], [], []>, transpose_lhs_hint = false} : vector<512x1024xbf16>, vector<1024x256xbf16>, vector<512x256xf32> -> vector<512x256xf32>
    %dot_general3A_26 = arith.constant dense<0.000000e+00> : vector<512x256xf32>
    %dot_general3A_27 = tpu.matmul %get3A_20, %convert_element_type3A_5, %dot_general3A_26 {dimension_numbers = #tpu.dot_dimension_numbers<[1], [0], [0], [1], [0, 0, 1, 1], [], []>, transpose_lhs_hint = false} : vector<512x1024xbf16>, vector<1024x256xbf16>, vector<512x256xf32> -> vector<512x256xf32>
    %dot_general3A_28 = arith.constant dense<0.000000e+00> : vector<512x256xf32>
    %dot_general3A_29 = tpu.matmul %get3A_23, %convert_element_type3A, %dot_general3A_28 {dimension_numbers = #tpu.dot_dimension_numbers<[1], [0], [0], [1], [0, 0, 1, 1], [], []>, transpose_lhs_hint = false} : vector<512x1024xbf16>, vector<1024x256xbf16>, vector<512x256xf32> -> vector<512x256xf32>
    %add3A_30 = arith.addf %dot_general3A_27, %dot_general3A_29 : vector<512x256xf32>
    %add3A_31 = arith.addf %dot_general3A_25, %add3A_30 : vector<512x256xf32>
    %mul3A = arith.mulf %add3A_17, %add3A_17 : vector<512x256xf32>
    %mul3A_32 = arith.mulf %add3A_31, %add3A_31 : vector<512x256xf32>
    %add3A_33 = arith.addf %mul3A, %mul3A_32 : vector<512x256xf32>
    %rsqrt3A = math.rsqrt %add3A_33 : vector<512x256xf32>
    %gt3A = arith.constant 0.000000e+00 : f32
    %gt3A_34 = vector.broadcast %gt3A : f32 to vector<512x256xf32>
    %gt3A_35 = arith.cmpf ogt, %add3A_33, %gt3A_34 : vector<512x256xf32>
    %mul3A_36 = arith.mulf %add3A_17, %rsqrt3A : vector<512x256xf32>
    %jit3A = arith.constant 1.000000e+00 : f32
    %broadcast_in_dim3A = vector.broadcast %jit3A : f32 to vector<512x256xf32>
    %select_n3A = arith.select %gt3A_35, %mul3A_36, %broadcast_in_dim3A : vector<512x256xi1>, vector<512x256xf32>
    %mul3A_37 = arith.mulf %add3A_31, %rsqrt3A : vector<512x256xf32>
    %jit3A_38 = arith.constant 0.000000e+00 : f32
    %broadcast_in_dim3A_39 = vector.broadcast %jit3A_38 : f32 to vector<512x256xf32>
    %select_n3A_40 = arith.select %gt3A_35, %mul3A_37, %broadcast_in_dim3A_39 : vector<512x256xi1>, vector<512x256xf32>
    %convert_element_type3A_41 = arith.truncf %select_n3A : vector<512x256xf32> to vector<512x256xbf16>
    %convert_element_type3A_42 = arith.extf %convert_element_type3A_41 : vector<512x256xbf16> to vector<512x256xf32>
    %sub3A_43 = arith.subf %select_n3A, %convert_element_type3A_42 : vector<512x256xf32>
    %convert_element_type3A_44 = arith.truncf %sub3A_43 : vector<512x256xf32> to vector<512x256xbf16>
    %convert_element_type3A_45 = arith.truncf %select_n3A_40 : vector<512x256xf32> to vector<512x256xbf16>
    %convert_element_type3A_46 = arith.extf %convert_element_type3A_45 : vector<512x256xbf16> to vector<512x256xf32>
    %sub3A_47 = arith.subf %select_n3A_40, %convert_element_type3A_46 : vector<512x256xf32>
    %convert_element_type3A_48 = arith.truncf %sub3A_47 : vector<512x256xf32> to vector<512x256xbf16>
    %get3A_49 = arith.constant 0 : index
    %get3A_50 = arith.constant 0 : index
    %get3A_51 = vector.load %arg6[%get3A_49, %get3A_50] : memref<1024x512xbf16, #tpu.memory_space<vmem>>, vector<1024x512xbf16>
    %get3A_52 = arith.constant 0 : index
    %get3A_53 = arith.constant 0 : index
    %get3A_54 = vector.load %arg7[%get3A_52, %get3A_53] : memref<1024x512xbf16, #tpu.memory_space<vmem>>, vector<1024x512xbf16>
    %dot_general3A_55 = arith.constant dense<0.000000e+00> : vector<1024x256xf32>
    %dot_general3A_56 = tpu.matmul %get3A_51, %convert_element_type3A_41, %dot_general3A_55 {dimension_numbers = #tpu.dot_dimension_numbers<[1], [0], [0], [1], [0, 0, 1, 1], [], []>, transpose_lhs_hint = false} : vector<1024x512xbf16>, vector<512x256xbf16>, vector<1024x256xf32> -> vector<1024x256xf32>
    %dot_general3A_57 = arith.constant dense<0.000000e+00> : vector<1024x256xf32>
    %dot_general3A_58 = tpu.matmul %get3A_51, %convert_element_type3A_44, %dot_general3A_57 {dimension_numbers = #tpu.dot_dimension_numbers<[1], [0], [0], [1], [0, 0, 1, 1], [], []>, transpose_lhs_hint = false} : vector<1024x512xbf16>, vector<512x256xbf16>, vector<1024x256xf32> -> vector<1024x256xf32>
    %dot_general3A_59 = arith.constant dense<0.000000e+00> : vector<1024x256xf32>
    %dot_general3A_60 = tpu.matmul %get3A_54, %convert_element_type3A_41, %dot_general3A_59 {dimension_numbers = #tpu.dot_dimension_numbers<[1], [0], [0], [1], [0, 0, 1, 1], [], []>, transpose_lhs_hint = false} : vector<1024x512xbf16>, vector<512x256xbf16>, vector<1024x256xf32> -> vector<1024x256xf32>
    %add3A_61 = arith.addf %dot_general3A_58, %dot_general3A_60 : vector<1024x256xf32>
    %add3A_62 = arith.addf %dot_general3A_56, %add3A_61 : vector<1024x256xf32>
    %get3A_63 = arith.constant 0 : index
    %get3A_64 = arith.constant 0 : index
    %get3A_65 = vector.load %arg8[%get3A_63, %get3A_64] : memref<1024x512xbf16, #tpu.memory_space<vmem>>, vector<1024x512xbf16>
    %get3A_66 = arith.constant 0 : index
    %get3A_67 = arith.constant 0 : index
    %get3A_68 = vector.load %arg9[%get3A_66, %get3A_67] : memref<1024x512xbf16, #tpu.memory_space<vmem>>, vector<1024x512xbf16>
    %dot_general3A_69 = arith.constant dense<0.000000e+00> : vector<1024x256xf32>
    %dot_general3A_70 = tpu.matmul %get3A_65, %convert_element_type3A_45, %dot_general3A_69 {dimension_numbers = #tpu.dot_dimension_numbers<[1], [0], [0], [1], [0, 0, 1, 1], [], []>, transpose_lhs_hint = false} : vector<1024x512xbf16>, vector<512x256xbf16>, vector<1024x256xf32> -> vector<1024x256xf32>
    %dot_general3A_71 = arith.constant dense<0.000000e+00> : vector<1024x256xf32>
    %dot_general3A_72 = tpu.matmul %get3A_65, %convert_element_type3A_48, %dot_general3A_71 {dimension_numbers = #tpu.dot_dimension_numbers<[1], [0], [0], [1], [0, 0, 1, 1], [], []>, transpose_lhs_hint = false} : vector<1024x512xbf16>, vector<512x256xbf16>, vector<1024x256xf32> -> vector<1024x256xf32>
    %dot_general3A_73 = arith.constant dense<0.000000e+00> : vector<1024x256xf32>
    %dot_general3A_74 = tpu.matmul %get3A_68, %convert_element_type3A_45, %dot_general3A_73 {dimension_numbers = #tpu.dot_dimension_numbers<[1], [0], [0], [1], [0, 0, 1, 1], [], []>, transpose_lhs_hint = false} : vector<1024x512xbf16>, vector<512x256xbf16>, vector<1024x256xf32> -> vector<1024x256xf32>
    %add3A_75 = arith.addf %dot_general3A_72, %dot_general3A_74 : vector<1024x256xf32>
    %add3A_76 = arith.addf %dot_general3A_70, %add3A_75 : vector<1024x256xf32>
    %sub3A_77 = arith.subf %add3A_62, %add3A_76 : vector<1024x256xf32>
    %iota3A = tpu.iota {dimensions = array<i32: 0>} : vector<1024x1xi32>
    %jit3A_78 = arith.constant 2 : i32
    %eq3A = arith.constant 0 : i32
    %eq3A_79 = arith.cmpi eq, %jit3A_78, %eq3A : i32
    %jit3A_80 = arith.constant 1 : i32
    %select_n3A_81 = arith.select %eq3A_79, %jit3A_80, %jit3A_78 : i32
    %rem3A = vector.broadcast %select_n3A_81 : i32 to vector<1024x1xi32>
    %rem3A_82 = arith.remsi %iota3A, %rem3A : vector<1024x1xi32>
    %ne3A = arith.constant 0 : i32
    %ne3A_83 = vector.broadcast %ne3A : i32 to vector<1024x1xi32>
    %ne3A_84 = arith.cmpi ne, %rem3A_82, %ne3A_83 : vector<1024x1xi32>
    %lt3A = arith.constant 0 : i32
    %lt3A_85 = vector.broadcast %lt3A : i32 to vector<1024x1xi32>
    %lt3A_86 = arith.cmpi slt, %rem3A_82, %lt3A_85 : vector<1024x1xi32>
    %lt3A_87 = arith.constant 0 : i32
    %lt3A_88 = arith.cmpi slt, %select_n3A_81, %lt3A_87 : i32
    %ne3A_89 = vector.broadcast %lt3A_88 : i1 to vector<1024x1xi1>
    %ne3A_90 = vector.broadcast %ne3A_89 : vector<1024x1xi1> to vector<1024x1xi1>
    %ne3A_91 = arith.xori %lt3A_86, %ne3A_90 : vector<1024x1xi1>
    %and3A = arith.andi %ne3A_91, %ne3A_84 : vector<1024x1xi1>
    %add3A_92 = vector.broadcast %select_n3A_81 : i32 to vector<1024x1xi32>
    %add3A_93 = arith.addi %rem3A_82, %add3A_92 : vector<1024x1xi32>
    %select_n3A_94 = arith.select %and3A, %add3A_93, %rem3A_82 : vector<1024x1xi1>, vector<1024x1xi32>
    %mul3A_95 = arith.constant 2 : i32
    %mul3A_96 = vector.broadcast %mul3A_95 : i32 to vector<1024x1xi32>
    %mul3A_97 = arith.muli %mul3A_96, %select_n3A_94 : vector<1024x1xi32>
    %sub3A_98 = arith.constant 1 : i32
    %sub3A_99 = vector.broadcast %sub3A_98 : i32 to vector<1024x1xi32>
    %sub3A_100 = arith.subi %sub3A_99, %mul3A_97 : vector<1024x1xi32>
    %convert_element_type3A_101 = arith.sitofp %sub3A_100 : vector<1024x1xi32> to vector<1024x1xf32>
    %mul3A_102 = vector.broadcast %convert_element_type3A_101 : vector<1024x1xf32> to vector<1024x256xf32>
    %mul3A_103 = arith.mulf %get3A_3, %mul3A_102 : vector<1024x256xf32>
    %reduce_sum3A = arith.constant dense<0.000000e+00> : vector<256xf32>
    %reduce_sum3A_104 = vector.multi_reduction <add>, %mul3A_103, %reduce_sum3A [0] : vector<1024x256xf32> to vector<256xf32>
    %broadcast_in_dim3A_105 = vector.shape_cast %reduce_sum3A_104 : vector<256xf32> to vector<1x256xf32>
    %ne3A_106 = arith.constant 0.000000e+00 : f32
    %ne3A_107 = vector.broadcast %ne3A_106 : f32 to vector<1x256xf32>
    %ne3A_108 = arith.cmpf one, %broadcast_in_dim3A_105, %ne3A_107 : vector<1x256xf32>
    %sign3A = tpu.bitcast %broadcast_in_dim3A_105 : vector<1x256xf32> -> vector<1x256xi32>
    %sign3A_109 = arith.constant -2147483648 : i32
    %sign3A_110 = vector.broadcast %sign3A_109 : i32 to vector<1x256xi32>
    %sign3A_111 = arith.andi %sign3A, %sign3A_110 : vector<1x256xi32>
    %sign3A_112 = arith.constant 1065353216 : i32
    %sign3A_113 = vector.broadcast %sign3A_112 : i32 to vector<1x256xi32>
    %sign3A_114 = arith.ori %sign3A_113, %sign3A_111 : vector<1x256xi32>
    %sign3A_115 = tpu.bitcast %sign3A_114 : vector<1x256xi32> -> vector<1x256xf32>
    %sign3A_116 = math.absf %broadcast_in_dim3A_105 : vector<1x256xf32>
    %sign3A_117 = arith.constant 0.000000e+00 : f32
    %sign3A_118 = vector.broadcast %sign3A_117 : f32 to vector<1x256xf32>
    %sign3A_119 = arith.cmpf ogt, %sign3A_116, %sign3A_118 : vector<1x256xf32>
    %sign3A_120 = arith.select %sign3A_119, %sign3A_115, %broadcast_in_dim3A_105 : vector<1x256xi1>, vector<1x256xf32>
    %jit3A_121 = arith.constant 1.000000e+00 : f32
    %broadcast_in_dim3A_122 = vector.broadcast %jit3A_121 : f32 to vector<1x256xf32>
    %select_n3A_123 = arith.select %ne3A_108, %sign3A_120, %broadcast_in_dim3A_122 : vector<1x256xi1>, vector<1x256xf32>
    %mul3A_124 = vector.broadcast %convert_element_type3A_101 : vector<1024x1xf32> to vector<1024x256xf32>
    %mul3A_125 = vector.broadcast %select_n3A_123 : vector<1x256xf32> to vector<1024x256xf32>
    %mul3A_126 = arith.mulf %mul3A_124, %mul3A_125 : vector<1024x256xf32>
    %add3A_127 = arith.addf %sub3A_77, %mul3A_126 : vector<1024x256xf32>
    %convert_element_type3A_128 = arith.truncf %add3A_127 : vector<1024x256xf32> to vector<1024x256xbf16>
    %convert_element_type3A_129 = arith.extf %convert_element_type3A_128 : vector<1024x256xbf16> to vector<1024x256xf32>
    %sub3A_130 = arith.subf %add3A_127, %convert_element_type3A_129 : vector<1024x256xf32>
    %convert_element_type3A_131 = arith.truncf %sub3A_130 : vector<1024x256xf32> to vector<1024x256xbf16>
    %get3A_132 = arith.constant 0 : index
    %get3A_133 = arith.constant 0 : index
    %get3A_134 = vector.load %arg10[%get3A_132, %get3A_133] : memref<1024x256xbf16, #tpu.memory_space<vmem>>, vector<1024x256xbf16>
    %get3A_135 = arith.constant 0 : index
    %get3A_136 = arith.constant 0 : index
    %get3A_137 = vector.load %arg11[%get3A_135, %get3A_136] : memref<1024x256xbf16, #tpu.memory_space<vmem>>, vector<1024x256xbf16>
    %dot_general3A_138 = arith.constant dense<0.000000e+00> : vector<1024x1024xf32>
    %dot_general3A_139 = tpu.matmul %convert_element_type3A_128, %get3A_134, %dot_general3A_138 {dimension_numbers = #tpu.dot_dimension_numbers<[1], [1], [0], [0], [0, 0, 1, 0], [], []>, transpose_lhs_hint = false} : vector<1024x256xbf16>, vector<1024x256xbf16>, vector<1024x1024xf32> -> vector<1024x1024xf32>
    %dot_general3A_140 = arith.constant dense<0.000000e+00> : vector<1024x1024xf32>
    %dot_general3A_141 = tpu.matmul %convert_element_type3A_128, %get3A_137, %dot_general3A_140 {dimension_numbers = #tpu.dot_dimension_numbers<[1], [1], [0], [0], [0, 0, 1, 0], [], []>, transpose_lhs_hint = false} : vector<1024x256xbf16>, vector<1024x256xbf16>, vector<1024x1024xf32> -> vector<1024x1024xf32>
    %dot_general3A_142 = arith.constant dense<0.000000e+00> : vector<1024x1024xf32>
    %dot_general3A_143 = tpu.matmul %convert_element_type3A_131, %get3A_134, %dot_general3A_142 {dimension_numbers = #tpu.dot_dimension_numbers<[1], [1], [0], [0], [0, 0, 1, 0], [], []>, transpose_lhs_hint = false} : vector<1024x256xbf16>, vector<1024x256xbf16>, vector<1024x1024xf32> -> vector<1024x1024xf32>
    %add3A_144 = arith.addf %dot_general3A_141, %dot_general3A_143 : vector<1024x1024xf32>
    %add3A_145 = arith.addf %dot_general3A_139, %add3A_144 : vector<1024x1024xf32>
    %argmax3A = tpu.reduce_index %add3A_145 {axis = 1 : i32, kind = #tpu.reduction_kind<arg_max>} : vector<1024x1024xf32> -> vector<1024xi32>
    %swap3A = arith.constant 0 : index
    %swap3A_146 = vector.load %arg12[%swap3A] : memref<1024xi32, #tpu.memory_space<vmem>>, vector<1024xi32>
    tpu.vector_store %arg12[%swap3A], %argmax3A {strides = array<i32>} : memref<1024xi32, #tpu.memory_space<vmem>>, vector<1024xi32>,
    return
  }
  func.func @transform_0(%arg0: i32) -> (i32, i32, i32) {
    %c0_i32 = arith.constant 0 : i32
    %c0_i32_0 = arith.constant 0 : i32
    %c0_i32_1 = arith.constant 0 : i32
    return %arg0, %c0_i32, %c0_i32_0 : i32, i32, i32
  }
  func.func @transform_1(%arg0: i32) -> (i32, i32) {
    %c0_i32 = arith.constant 0 : i32
    %c0_i32_0 = arith.constant 0 : i32
    %c0_i32_1 = arith.constant 0 : i32
    return %c0_i32, %c0_i32_0 : i32, i32
  }
  func.func @transform_2(%arg0: i32) -> (i32, i32) {
    %c0_i32 = arith.constant 0 : i32
    %c0_i32_0 = arith.constant 0 : i32
    %c0_i32_1 = arith.constant 0 : i32
    return %c0_i32, %c0_i32_0 : i32, i32
  }
  func.func @transform_3(%arg0: i32) -> (i32, i32) {
    %c0_i32 = arith.constant 0 : i32
    %c0_i32_0 = arith.constant 0 : i32
    %c0_i32_1 = arith.constant 0 : i32
    return %c0_i32, %c0_i32_0 : i32, i32
  }
  func.func @transform_4(%arg0: i32) -> (i32, i32) {
    %c0_i32 = arith.constant 0 : i32
    %c0_i32_0 = arith.constant 0 : i32
    %c0_i32_1 = arith.constant 0 : i32
    return %c0_i32, %c0_i32_0 : i32, i32
  }
  func.func @transform_5(%arg0: i32) -> (i32, i32) {
    %c0_i32 = arith.constant 0 : i32
    %c0_i32_0 = arith.constant 0 : i32
    %c0_i32_1 = arith.constant 0 : i32
    return %c0_i32, %c0_i32_0 : i32, i32
  }
  func.func @transform_6(%arg0: i32) -> (i32, i32) {
    %c0_i32 = arith.constant 0 : i32
    %c0_i32_0 = arith.constant 0 : i32
    %c0_i32_1 = arith.constant 0 : i32
    return %c0_i32, %c0_i32_0 : i32, i32
  }
  func.func @transform_7(%arg0: i32) -> (i32, i32) {
    %c0_i32 = arith.constant 0 : i32
    %c0_i32_0 = arith.constant 0 : i32
    %c0_i32_1 = arith.constant 0 : i32
    return %c0_i32, %c0_i32_0 : i32, i32
  }
  func.func @transform_8(%arg0: i32) -> (i32, i32) {
    %c0_i32 = arith.constant 0 : i32
    %c0_i32_0 = arith.constant 0 : i32
    %c0_i32_1 = arith.constant 0 : i32
    return %c0_i32, %c0_i32_0 : i32, i32
  }
  func.func @transform_9(%arg0: i32) -> (i32, i32) {
    %c0_i32 = arith.constant 0 : i32
    %c0_i32_0 = arith.constant 0 : i32
    %c0_i32_1 = arith.constant 0 : i32
    return %c0_i32, %c0_i32_0 : i32, i32
  }
  func.func @transform_10(%arg0: i32) -> (i32, i32) {
    %c0_i32 = arith.constant 0 : i32
    %c0_i32_0 = arith.constant 0 : i32
    %c0_i32_1 = arith.constant 0 : i32
    return %c0_i32, %c0_i32_0 : i32, i32
  }
  func.func @transform_11(%arg0: i32) -> i32 {
    %c0_i32 = arith.constant 0 : i32
    return %arg0 : i32
  }
}

</mosaic_0001>

<sc_bundles>
// kernel: kernel.5.cloned.1.call-start
scs
__scs_entry_jumppad:
0x0: {  	(pc) =	sbr.rel $0x88, $3  }
0x1: {  	(tag) =	ssettag $0x0;
	lr =	simm.s32 $0x1  }
0x2: {  	[smem:$0x3F9F] =	sst lr;
	_ =	strace $0xD0000000  }
0x3: {  	_ = 	snop  }
0x4: {  	_ = 	snop  }
0x5: {  	_ = 	snop  }
0x6: {  	_ = 	snop  }
0x7: {  	_ = 	snop  }
__scs_overlays_trampoline_lowered:
0x8: {  	[smem:$0x3FAE] =	sst s0  }
0x9: {  	[smem:$0x3FAF] =	sst s1  }
0xa: {  	[smem:$0x3FB0] =	sst s2  }
0xb: {  	[smem:$0x3FB1] =	sst s3  }
0xc: {  	[smem:$0x3FB2] =	sst s4  }
0xd: {  	[smem:$0x3FB3] =	sst s5  }
0xe: {  	[smem:$0x3FB4] =	sst s6  }
0xf: {  	[smem:$0x3FB5] =	sst s7  }
0x10: {  	[smem:$0x3FB6] =	sst s8  }
0x11: {  	[smem:$0x3FB7] =	sst s9;
	s0 =	simm.s32 @!p0 $0x0  }
0x12: {  	s1 =	sld [smem:$0x3F9D];
	s0 =	simm.s32 @p0 $0x1  }
0x13: {  	[smem:$0x3FB8] =	sst s0;
	s0 =	simm.s32 @!p1 $0x0  }
0x14: {  	s2 =	sld [smem:$0x3F9C];
	s0 =	simm.s32 @p1 $0x1  }
0x15: {  	[smem:$0x3FB9] =	sst s0;
	s0 =	simm.s32 @!p2 $0x0  }
0x16: {  	s3 =	sld [smem:$0x3FDB];
	s0 =	simm.s32 @p2 $0x1  }
0x17: {  	s4 =	simm.s32 $0x1BF5;
	[smem:$0x3FBB] =	sst s0  }
0x18: {  	s0 =	sld [smem:$0x3F9E];
	_ =	swait.ge [sflag:s4], $0x0  }
0x19: {  	s7 =	sld [smem:$0x3F9F]  }
0x1a: {  	s8 =	sadd.s32 $0xFFFFE003, lr  }
0x1b: {  	s9 =	sadd.s32 $0xFFFFFEF7, lr;
	s5 =	simm.s32 $0xFFFFFFFF;
	p2 =	slt.u32 s8, $0xFFFFF086  }
0x1c: {  	p1 =	slt.u32 s9, $0xF7A;
	s5 =	simm.s32 @!p2 $0x0  }
0x1d: {  	s5 =	simm.s32 @p1 $0x1;
	p0 =	seq.s32 s7, s2  }
0x1e: {  	s7 =	smul.u32 @!p0 $0xF7A, s2;
	p2 =	seq.s32 @!p0 s5, $0x0  }
0x1f: {  	s9 =	smul.u32 $0xF7A, s1;
	s8 =	simm.s32 @!p0 $0x1BF5;
	p2 =	por !p2, p0  }
0x20: {  	[sflag:s8] =	ssyncset.s32 @!p0 $0xFFFFF086;
	s6 =	sadd.s32 @!p0 s3, s7;
	s7 =	simm.s32 @!p0 $0x108  }
0x21: {  	s3 =	sadd.s32 s3, s9;
	s6 =	sadd.s32 @!p0 $0x88, s6;
	s7 =	simm.s32 @p2 $0x1082  }
0x22: {  	[simem:s7], [sflag:s8] =	dma.local @!p0 [hbm:s6], $0xF7A  }
0x23: {  	s9 =	sor.u32 $0xD0000000, s2;
	s6 =	simm.s32 $0x108;
	_ =	swait.ge @!p0 [sflag:s8], $0x0  }
0x24: {  	s3 =	sadd.s32 $0x88, s3;
	s6 =	simm.s32 @!p1 $0x1082;
	[sflag:s4] =	ssyncset.s32 $0xFFFFF086  }
0x25: {  	[simem:s6], [sflag:s4] =	dma.local [hbm:s3], $0xF7A  }
0x26: {  	[smem:$0x3F9F] =	sst s1;
	(tag) =	ssettag s2;
	_ =	strace s9  }
0x27: {  	s1 =	sld [smem:$0x3FAF]  }
0x28: {  	s2 =	sld [smem:$0x3FB0]  }
0x29: {  	s4 =	sld [smem:$0x3FB2]  }
0x2a: {  	p0 =	seq.s32 s5, $0x0;
	s5 =	sld [smem:$0x3FB3]  }
0x2b: {  	s6 =	sld [smem:$0x3FB4]  }
0x2c: {  	s7 =	sld [smem:$0x3FB5]  }
0x2d: {  	s3 =	simm.s32 $0x108;
	s8 =	sld [smem:$0x3FB6]  }
0x2e: {  	s3 =	simm.s32 @!p0 $0x1082;
	s9 =	sld [smem:$0x3FB7]  }
0x2f: {  	lr =	sadd.s32 s0, s3;
	s0 =	sld [smem:$0x3FAE]  }
0x30: {  	s3 =	sld [smem:$0x3FB1]  }
0x31: {  	[smem:$0x3FBA] =	sst s10  }
0x32: {  	s10 =	sld [smem:$0x3FB8];
	_ =	sdelay $0x3  }
0x33: {  	p0 =	seq.s32 s10, $0x1;
	s10 =	sld [smem:$0x3FBA];
	_ =	sdelay $0x3  }
0x34: {  	[smem:$0x3FBA] =	sst s10  }
0x35: {  	s10 =	sld [smem:$0x3FB9];
	_ =	sdelay $0x3  }
0x36: {  	p1 =	seq.s32 s10, $0x1;
	s10 =	sld [smem:$0x3FBA];
	_ =	sdelay $0x3  }
0x37: {  	[smem:$0x3FBA] =	sst s10  }
0x38: {  	s10 =	sld [smem:$0x3FBB]  }
0x39: {  	_ = 	snop;
	(pc) =	sbr.ind lr, $3  }
0x3a: {  	_ = 	snop  }
0x3b: {  	_ = 	snop  }
0x3c: {  	p2 =	seq.s32 s10, $0x1;
	s10 =	sld [smem:$0x3FBA]  }
0x3d: {  	_ =	shalt  }
0x3e: {  	_ =	shalt  }
0x3f: {  	_ =	shalt  }
0x40: {  	_ =	shalt  }
0x41: {  	_ =	shalt  }
0x42: {  	_ =	shalt  }
0x43: {  	_ =	shalt  }
0x44: {  	_ =	shalt  }
0x45: {  	_ =	shalt  }
0x46: {  	_ =	shalt  }
0x47: {  	_ =	shalt  }
0x48: {  	_ =	shalt  }
0x49: {  	_ =	shalt  }
0x4a: {  	_ =	shalt  }
0x4b: {  	_ =	shalt  }
0x4c: {  	_ =	shalt  }
0x4d: {  	_ =	shalt  }
0x4e: {  	_ =	shalt  }
0x4f: {  	_ =	shalt  }
0x50: {  	_ =	shalt  }
0x51: {  	_ =	shalt  }
0x52: {  	_ =	shalt  }
0x53: {  	_ =	shalt  }
0x54: {  	_ =	shalt  }
0x55: {  	_ =	shalt  }
0x56: {  	_ =	shalt  }
0x57: {  	_ =	shalt  }
0x58: {  	_ =	shalt  }
0x59: {  	_ =	shalt  }
0x5a: {  	_ =	shalt  }
0x5b: {  	_ =	shalt  }
0x5c: {  	_ =	shalt  }
0x5d: {  	_ =	shalt  }
0x5e: {  	_ =	shalt  }
0x5f: {  	_ =	shalt  }
0x60: {  	_ =	shalt  }
0x61: {  	_ =	shalt  }
0x62: {  	_ =	shalt  }
0x63: {  	_ =	shalt  }
0x64: {  	_ =	shalt  }
0x65: {  	_ =	shalt  }
0x66: {  	_ =	shalt  }
0x67: {  	_ =	shalt  }
0x68: {  	_ =	shalt  }
0x69: {  	_ =	shalt  }
0x6a: {  	_ =	shalt  }
0x6b: {  	_ =	shalt  }
0x6c: {  	_ =	shalt  }
0x6d: {  	_ =	shalt  }
0x6e: {  	_ =	shalt  }
0x6f: {  	_ =	shalt  }
0x70: {  	_ =	shalt  }
0x71: {  	_ =	shalt  }
0x72: {  	_ =	shalt  }
0x73: {  	_ =	shalt  }
0x74: {  	_ =	shalt  }
0x75: {  	_ =	shalt  }
0x76: {  	_ =	shalt  }
0x77: {  	_ =	shalt  }
0x78: {  	_ =	shalt  }
0x79: {  	_ =	shalt  }
0x7a: {  	_ =	shalt  }
0x7b: {  	_ =	shalt  }
0x7c: {  	_ =	shalt  }
0x7d: {  	_ =	shalt  }
0x7e: {  	_ =	shalt  }
0x7f: {  	_ =	shalt  }
0x80: {  	_ =	shalt  }
0x81: {  	_ =	shalt  }
0x82: {  	_ =	shalt  }
0x83: {  	_ =	shalt  }
0x84: {  	_ =	shalt  }
0x85: {  	_ =	shalt  }
0x86: {  	_ =	shalt  }
0x87: {  	_ =	shalt  }
.Lfunc_end0:
.L_simem_size_0:
called_computation_lowered:
.L_overlay_start_0:
0x88: {  	s2 =	sld [smem:$0x3FD9]  }
0x89: {  	s3 =	sld [smem:$0x3FFE];
	_ =	sdelay $0x1  }
0x8a: {  	s1 =	srdreg.scid  }
0x8b: {  	s0 =	sand.u32 $0x1, s1  }
0x8c: {  	s17 =	sshll.u32 s0, $0xA;
	s2 =	sadd.s32 s3, s2  }
0x8d: {  	s2 =	sadd.s32 s2, s17  }
0x8e: {  	[smem:$0x3FC6] =	sst s2  }
0x8f: {  	_ = 	snop  }
0x90: {  	s2 =	sld [smem:$0x3FD0];
	(tm) =	ssettm $0x1  }
0x91: {  	s18 =	sld [smem:$0x3FFB];
	_ =	sdelay $0x3  }
0x92: {  	_ =	strace s18  }
0x93: {  	s3 =	sld [smem:$0x3FFC];
	_ =	sdelay $0x3  }
0x94: {  	_ =	strace s3  }
0x95: {  	s3 =	sld [smem:$0x3FFD];
	_ =	sdelay $0x3  }
0x96: {  	_ =	strace s3  }
0x97: {  	_ =	strace $0x8FFFFFFF  }
0x98: {  	s19 =	sld [smem:$0x3FDB];
	_ =	sdelay $0x1  }
0x99: {  	s4 =	simm.s32 $_scs_section_size  }
0x9a: {  	s5 =	simm.s32 $_size__tile_overlayer_lowered;
	s6 =	simm.s32 $_tile_overlayer_lowered  }
0x9b: {  	s22 =	simm.s32 $0x1BFF;
	s21 =	sshll.u32 s6, $0x1;
	s3 =	sadd.s32 s4, s19  }
0x9c: {  	s7 =	simm.s32 $0x0;
	s20 =	sshll.u32 s5, $0x1;
	s5 =	sadd.s32 s21, s3  }
0x9d: {  	[timem:s7], [sflag:s22] =	dma.local [hbm:s5], s20  }
0x9e: {  	_ =	swait.ge [sflag:s22], s20  }
0x9f: {  	s4 =	ssub.s32 $0x0, s20;
	[sflag:s22] =	ssyncset.done $0x0  }
0xa0: {  	[sflag:s22] =	ssyncadd.s32 s4;
	_ =	sdelay $0x1  }
0xa1: {  	s23 =	simm.s32 $0x1B8B  }
0xa2: {  	_ =	swait.ge [sflag:s23], $0x1  }
0xa3: {  	[sflag:s23] =	ssyncset.done $0x0  }
0xa4: {  	s25 =	simm.s32 $0x1B8E;
	s24 =	sld [smem:$0x3FFE];
	[sflag:s23] =	ssyncadd.s32 $0xFFFFFFFF  }
0xa5: {  	s26 =	simm.s32 $execute0_lowered;
	[smem:$0x3FD2] =	sst s25  }
0xa6: {  	s5 =	sshll.u32 s26, $0x1;
	_ =	strace $0x80000046;
	[dreg:$0x1] =	wrdreg $0xFFFFFFFF  }
0xa7: {  	s28 =	simm.s32 $_size_execute0_lowered;
	s3 =	sadd.s32 s3, s5;
	[dreg:$0x0] =	wrdreg $0x0  }
0xa8: {  	s5 =	sshll.u32 s28, $0x1;
	[dreg:$0x2] =	wrdreg s3  }
0xa9: {  	[dreg:$0x3] =	wrdreg s5  }
0xaa: {  	[dreg:$0x4] =	wrdreg $0xC0  }
0xab: {  	_ =	task [dreg:s7], $0x5FFFF  }
0xac: {  	[dreg:$0x1] =	wrdreg $0xFFFFFFFF  }
0xad: {  	[dreg:$0x0] =	wrdreg $0x60  }
0xae: {  	[dreg:$0x2] =	wrdreg s24  }
0xaf: {  	[dreg:$0x3] =	wrdreg s2  }
0xb0: {  	[dreg:$0x4] =	wrdreg $0x9  }
0xb1: {  	_ =	task.clear_ibuf [dreg:s7], $0x5FFFF;
	_ =	strace $0x90000046  }
0xb2: {  	s29 =	simm.s32 $0x9;
	_ =	strace $0x80000048  }
0xb3: {  	_ =	swait.ge [sflag:s29], $0x1  }
0xb4: {  	[sflag:s29] =	ssyncadd.s32 $0xFFFFFFFF  }
0xb5: {  	_ =	strace $0x90000048  }
0xb6: {  	_ =	sfence  }
0xb7: {  	s30 =	sld [smem:$0x0];
	_ =	sdelay $0x2  }
0xb8: {  	s31 =	sshll.u32 s1, $0xD;
	s1 =	sshrl.u32 s1, $0x2  }
0xb9: {  	s3 =	sand.u32 $0x4000, s31;
	s1 =	sadd.s32 s1, s30  }
0xba: {  	s0 =	sor.u32 s3, s0;
	s1 =	sshll.u32 s1, $0x11  }
0xbb: {  	s0 =	sor.u32 s1, s0  }
0xbc: {  	s0 =	sadd.s32 $0x8F2B, s0  }
0xbd: {  	[sflag:s0] =	ssyncadd.remote.s32 $0x1  }
0xbe: {  	_ =	sfence.sel $0xFFFF  }
0xbf: {  	[dreg:$0x0] =	wrdreg $0xFFFFFFFF;
	(pc) =	sbr.abs _section_cstart, $3  }
0xc0: {  	[dreg:$0x1] =	wrdreg $0xFFFFFFFF  }
0xc1: {  	_ =	task.clear_ibuf [dreg:s7], $0x2FFFF;
	_ =	strace $0x9FFFFFFF  }
0xc2: {  	(tm) =	ssettm $0x7FFFFFFF  }
0xc3: {  	_ =	shalt  }
tec
execute0_lowered:
.L_overlay_start_1:
0x0: {  	(tag) =	ssettag $0x1  }
0x1: {  	s1 =	srdreg.scid  }
0x2: {  	s8 =	rddreg [dreg:$0x0];
	s0 =	stileid.u32;
	s14 =	sand.u32 $0x1, s1  }
0x3: {  	s13 =	rddreg [dreg:$0x1];
	s3 =	sshll.u32 s0, $0xA;
	s4 =	sshll.u32 s14, $0x9  }
0x4: {  	s2 =	simm.s32 $0x0;
	s1 =	rddreg [dreg:$0x2];
	s15 =	sor.u32 s4, s3  }
0x5: {  	[smem:$0x7FF] =	sst s2;
	s3 =	sshrl.u32 s15, $0x3  }
0x6: {  	_ =	strace $0x80000047;
	s4 =	sadd.s32 s13, s3;
	s3 =	simm.s32 $0x2  }
0x7: {  	[tilespmem:s2], [sflag:$0x2] =	stream.linear.gather [hbm4b:s4+s2], $0x80, $0x38;
	[tilespmem:$0x4080] =	vst v63  }
0x8: {  	_ =	swait.ge [sflag:s3], $0x80  }
0x9: {  	s6 =	simm.s32 $0x80;
	[sflag:s3] =	ssyncset.done $0x0  }
0xa: {  	s7 =	simm.s32 $0x1;
	s5 =	sadd.s32 $0xA00, s8;
	[sflag:s3] =	ssyncadd.s32 $0xFFFFFF80  }
0xb: {  	[tilespmem:s6], [sflag:$0x1] =	stream.indirect.gather [hbm4b:s5+s6], $0x80, s2, s6, $0xb8;
	[tilespmem:$0x4080] =	vst v63  }
0xc: {  	_ =	swait.ge [sflag:s7], $0x4000  }
0xd: {  	s16 =	sadd.s32 $0x4A00, s8;
	s28 =	sshll.u32 s15, $0x4;
	[sflag:s7] =	ssyncset.done $0x0  }
0xe: {  	s8 =	sadd.s32 s16, s28;
	[sflag:s7] =	ssyncadd.s32 $0xFFFFC000  }
0xf: {  	[hbm4b:s8+s2] =	stream.linear.scatter [tilespmem:s6], [sflag:$0x2], $0x4000, $0x38;
	[tilespmem:$0x4080] =	vst v63  }
0x10: {  	s10 =	sor.u32 $0x80, s15;
	_ =	swait.ge [sflag:s3], $0x4000  }
0x11: {  	s9 =	sshrl.u32 s10, $0x3;
	[sflag:s3] =	ssyncset.done $0x0  }
0x12: {  	s9 =	sadd.s32 s13, s9;
	[sflag:s3] =	ssyncadd.s32 $0xFFFFC000  }
0x13: {  	[tilespmem:s2], [sflag:$0x2] =	stream.linear.gather [hbm4b:s9+s2], $0x80, $0x38;
	[tilespmem:$0x4080] =	vst v63  }
0x14: {  	_ =	swait.ge [sflag:s3], $0x80  }
0x15: {  	[sflag:s3] =	ssyncset.done $0x0  }
0x16: {  	[sflag:s3] =	ssyncadd.s32 $0xFFFFFF80  }
0x17: {  	[tilespmem:s6], [sflag:$0x1] =	stream.indirect.gather [hbm4b:s5+s6], $0x80, s2, s6, $0xb8;
	[tilespmem:$0x4080] =	vst v63  }
0x18: {  	_ =	swait.ge [sflag:s7], $0x4000  }
0x19: {  	s10 =	sshll.u32 s10, $0x4;
	[sflag:s7] =	ssyncset.done $0x0  }
0x1a: {  	s10 =	sadd.s32 s16, s10;
	[sflag:s7] =	ssyncadd.s32 $0xFFFFC000  }
0x1b: {  	[hbm4b:s10+s2] =	stream.linear.scatter [tilespmem:s6], [sflag:$0x2], $0x4000, $0x38;
	[tilespmem:$0x4080] =	vst v63  }
0x1c: {  	s12 =	sor.u32 $0x100, s15;
	_ =	swait.ge [sflag:s3], $0x4000  }
0x1d: {  	s11 =	sshrl.u32 s12, $0x3;
	[sflag:s3] =	ssyncset.done $0x0  }
0x1e: {  	s11 =	sadd.s32 s13, s11;
	[sflag:s3] =	ssyncadd.s32 $0xFFFFC000  }
0x1f: {  	[tilespmem:s2], [sflag:$0x2] =	stream.linear.gather [hbm4b:s11+s2], $0x80, $0x38;
	[tilespmem:$0x4080] =	vst v63  }
0x20: {  	_ =	swait.ge [sflag:s3], $0x80  }
0x21: {  	[sflag:s3] =	ssyncset.done $0x0  }
0x22: {  	[sflag:s3] =	ssyncadd.s32 $0xFFFFFF80  }
0x23: {  	[tilespmem:s6], [sflag:$0x1] =	stream.indirect.gather [hbm4b:s5+s6], $0x80, s2, s6, $0xb8;
	[tilespmem:$0x4080] =	vst v63  }
0x24: {  	_ =	swait.ge [sflag:s7], $0x4000  }
0x25: {  	s12 =	sshll.u32 s12, $0x4;
	[sflag:s7] =	ssyncset.done $0x0  }
0x26: {  	s12 =	sadd.s32 s16, s12;
	[sflag:s7] =	ssyncadd.s32 $0xFFFFC000  }
0x27: {  	[hbm4b:s12+s2] =	stream.linear.scatter [tilespmem:s6], [sflag:$0x2], $0x4000, $0x38;
	[tilespmem:$0x4080] =	vst v63  }
0x28: {  	s15 =	sor.u32 $0x180, s15;
	_ =	swait.ge [sflag:s3], $0x4000  }
0x29: {  	s17 =	sshrl.u32 s15, $0x3;
	[sflag:s3] =	ssyncset.done $0x0  }
0x2a: {  	s14 =	ssub.s32 $0x2, s14;
	s13 =	sadd.s32 s13, s17;
	[sflag:s3] =	ssyncadd.s32 $0xFFFFC000  }
0x2b: {  	[tilespmem:s2], [sflag:$0x2] =	stream.linear.gather [hbm4b:s13+s2], $0x80, $0x38;
	[tilespmem:$0x4080] =	vst v63  }
0x2c: {  	s29 =	sshrl.u32 s14, $0x1;
	_ =	swait.ge [sflag:s3], $0x80  }
0x2d: {  	s17 =	ssub.s32 s14, s29;
	[sflag:s3] =	ssyncset.done $0x0  }
0x2e: {  	s31 =	smax.u32 s17, $0x1;
	[sflag:s3] =	ssyncadd.s32 $0xFFFFFF80  }
0x2f: {  	[tilespmem:s6], [sflag:$0x1] =	stream.indirect.gather [hbm4b:s5+s6], $0x80, s2, s6, $0xb8;
	[tilespmem:$0x4080] =	vst v63  }
0x30: {  	p0 =	sne.s32 s31, $0x1;
	_ =	swait.ge [sflag:s7], $0x4000  }
.Ltmp0:
0x31: {  	s30 =	sshll.u32 s15, $0x4;
	[sflag:s7] =	ssyncset.done $0x0;
	(pc) =	sbr.rel @!p0 .LBB2_2-.Ltmp0, $4  }
0x32: {  	s14 =	sadd.s32 s16, s30;
	[sflag:s7] =	ssyncadd.s32 $0xFFFFC000  }
0x33: {  	[hbm4b:s14+s2] =	stream.linear.scatter [tilespmem:s6], [sflag:$0x2], $0x4000, $0x38;
	[tilespmem:$0x4080] =	vst v63  }
0x34: {  	_ =	swait.ge [sflag:s3], $0x4000  }
0x35: {  	s15 =	sadd.s32 $0xFFFFFFFF, s31;
	[sflag:s3] =	ssyncset.done $0x0  }
.LBB2_1:
0x36: {  	p0 =	sne.s32 s15, $0x1;
	s15 =	sadd.s32 $0xFFFFFFFF, s15;
	[sflag:s3] =	ssyncadd.s32 $0xFFFFC000  }
0x37: {  	[tilespmem:s2], [sflag:$0x2] =	stream.linear.gather [hbm4b:s4+s2], $0x80, $0x38;
	[tilespmem:$0x4080] =	vst v63  }
0x38: {  	_ =	swait.ge [sflag:s3], $0x80  }
0x39: {  	[sflag:s3] =	ssyncset.done $0x0  }
0x3a: {  	[sflag:s3] =	ssyncadd.s32 $0xFFFFFF80  }
0x3b: {  	[tilespmem:s6], [sflag:$0x1] =	stream.indirect.gather [hbm4b:s5+s6], $0x80, s2, s6, $0xb8;
	[tilespmem:$0x4080] =	vst v63  }
0x3c: {  	_ =	swait.ge [sflag:s7], $0x4000  }
0x3d: {  	[sflag:s7] =	ssyncset.done $0x0  }
0x3e: {  	[sflag:s7] =	ssyncadd.s32 $0xFFFFC000  }
0x3f: {  	[hbm4b:s8+s2] =	stream.linear.scatter [tilespmem:s6], [sflag:$0x2], $0x4000, $0x38;
	[tilespmem:$0x4080] =	vst v63  }
0x40: {  	_ =	swait.ge [sflag:s3], $0x4000  }
0x41: {  	[sflag:s3] =	ssyncset.done $0x0  }
0x42: {  	[sflag:s3] =	ssyncadd.s32 $0xFFFFC000  }
0x43: {  	[tilespmem:s2], [sflag:$0x2] =	stream.linear.gather [hbm4b:s9+s2], $0x80, $0x38;
	[tilespmem:$0x4080] =	vst v63  }
0x44: {  	_ =	swait.ge [sflag:s3], $0x80  }
0x45: {  	[sflag:s3] =	ssyncset.done $0x0  }
0x46: {  	[sflag:s3] =	ssyncadd.s32 $0xFFFFFF80  }
0x47: {  	[tilespmem:s6], [sflag:$0x1] =	stream.indirect.gather [hbm4b:s5+s6], $0x80, s2, s6, $0xb8;
	[tilespmem:$0x4080] =	vst v63  }
0x48: {  	_ =	swait.ge [sflag:s7], $0x4000  }
0x49: {  	[sflag:s7] =	ssyncset.done $0x0  }
0x4a: {  	[sflag:s7] =	ssyncadd.s32 $0xFFFFC000  }
0x4b: {  	[hbm4b:s10+s2] =	stream.linear.scatter [tilespmem:s6], [sflag:$0x2], $0x4000, $0x38;
	[tilespmem:$0x4080] =	vst v63  }
0x4c: {  	_ =	swait.ge [sflag:s3], $0x4000  }
0x4d: {  	[sflag:s3] =	ssyncset.done $0x0  }
0x4e: {  	[sflag:s3] =	ssyncadd.s32 $0xFFFFC000  }
0x4f: {  	[tilespmem:s2], [sflag:$0x2] =	stream.linear.gather [hbm4b:s11+s2], $0x80, $0x38;
	[tilespmem:$0x4080] =	vst v63  }
0x50: {  	_ =	swait.ge [sflag:s3], $0x80  }
0x51: {  	[sflag:s3] =	ssyncset.done $0x0  }
0x52: {  	[sflag:s3] =	ssyncadd.s32 $0xFFFFFF80  }
0x53: {  	[tilespmem:s6], [sflag:$0x1] =	stream.indirect.gather [hbm4b:s5+s6], $0x80, s2, s6, $0xb8;
	[tilespmem:$0x4080] =	vst v63  }
0x54: {  	_ =	swait.ge [sflag:s7], $0x4000  }
0x55: {  	[sflag:s7] =	ssyncset.done $0x0  }
0x56: {  	[sflag:s7] =	ssyncadd.s32 $0xFFFFC000  }
0x57: {  	[hbm4b:s12+s2] =	stream.linear.scatter [tilespmem:s6], [sflag:$0x2], $0x4000, $0x38;
	[tilespmem:$0x4080] =	vst v63  }
0x58: {  	_ =	swait.ge [sflag:s3], $0x4000  }
0x59: {  	[sflag:s3] =	ssyncset.done $0x0  }
0x5a: {  	[sflag:s3] =	ssyncadd.s32 $0xFFFFC000  }
0x5b: {  	[tilespmem:s2], [sflag:$0x2] =	stream.linear.gather [hbm4b:s13+s2], $0x80, $0x38;
	[tilespmem:$0x4080] =	vst v63  }
0x5c: {  	_ =	swait.ge [sflag:s3], $0x80  }
0x5d: {  	[sflag:s3] =	ssyncset.done $0x0  }
0x5e: {  	[sflag:s3] =	ssyncadd.s32 $0xFFFFFF80  }
0x5f: {  	[tilespmem:s6], [sflag:$0x1] =	stream.indirect.gather [hbm4b:s5+s6], $0x80, s2, s6, $0xb8;
	[tilespmem:$0x4080] =	vst v63  }
0x60: {  	_ =	swait.ge [sflag:s7], $0x4000  }
.Ltmp1:
0x61: {  	[sflag:s7] =	ssyncset.done $0x0;
	(pc) =	sbr.rel @p0 .LBB2_1-.Ltmp1, $4  }
0x62: {  	[sflag:s7] =	ssyncadd.s32 $0xFFFFC000  }
0x63: {  	[hbm4b:s14+s2] =	stream.linear.scatter [tilespmem:s6], [sflag:$0x2], $0x4000, $0x38;
	[tilespmem:$0x4080] =	vst v63  }
0x64: {  	_ =	swait.ge [sflag:s3], $0x4000  }
0x65: {  	[sflag:s3] =	ssyncset.done $0x0  }
.LBB2_2:
0x66: {  	[sflag:s3] =	ssyncadd.s32 $0xFFFFC000  }
0x67: {  	_ =	sfence.sel $0x180000  }
0x68: {  	[bflag:$0x0] =	sbarrier.arrive $0xFFFF  }
0x69: {  	p0 =	sne.s32 s0, $0x0;
	_ =	strace $0x90000047  }
0x6a: {  	s0 =	sadd.s32 @!p0 $0x100000, s1;
	[bflag:$0x2] =	sbarrier.arrive $0xFFFF  }
0x6b: {  	[sflag:s0] =	ssyncadd.tile.s32 @!p0 $0x1;
	_ =	shalt  }
.Lfunc_end2:
_tile_overlayer_lowered:
.L_overlay_start_2:
0x6c: {  	(tag) =	ssettag $0x2  }
0x6d: {  	s0 =	rddreg [dreg:$0x0];
	s2 =	stileid.u32  }
0x6e: {  	s1 =	rddreg [dreg:$0x1];
	p0 =	sne.s32 s2, $0x0  }
0x6f: {  	s3 =	rddreg [dreg:$0x2];
	[bflag:$0x3] =	sbarrier.arrive $0xFFFF;
	s2 =	simm.s32 @!p0 $0x1C02  }
0x70: {  	[timem:s3], [sflag:s2] =	dma.local @!p0 [hbm:s0], s1  }
0x71: {  	s0 =	simm.s32 @!p0 $0x2  }
0x72: {  	_ =	swait.ge @!p0 [sflag:s0], s1  }
0x73: {  	s1 =	ssub.s32 @!p0 $0x0, s1;
	[sflag:s0] =	ssyncset.done @!p0 $0x0  }
0x74: {  	[sflag:s0] =	ssyncadd.s32 @!p0 s1  }
0x75: {  	[bflag:$0x3] =	sbarrier.arrive $0xFFFF  }
0x76: {  	_ =	shalt  }

</sc_bundles>
